<compile_context>
chip_gen: v7x
topology: tpu7x:2x2x1
jax: 0.10.2.dev20260603
libtpu: 0.0.44.dev20260713+nightly
codegen_flags: <defaults>
</compile_context>

<pallas_src>
import functools

import jax
import jax.numpy as jnp
from jax import lax
from jax.experimental import pallas as pl
from jax.experimental.pallas import tpu as pltpu
from jax.experimental.pallas import tpu_sc as plsc

NUM_CLASSES = 80
FPN_STRIDE = 8.0
NMS_PRE_TOPK = 1000
NMS_THRESHOLD = 0.6
NMS_POST_TOPK = 100
IMG_H = 800
IMG_W = 1333
N_LOCS = 20000
M = 1024
SCORE_BLK = 2000


def _make_sc_gather():
    info = plsc.get_sparse_core_info()
    nc, ns = info.num_cores, info.num_subcores
    nw = nc * ns
    bpw = M // nw
    mesh = plsc.VectorSubcoreMesh(core_axis_name="c", subcore_axis_name="s")

    @functools.partial(
        pl.kernel, mesh=mesh,
        out_type=jax.ShapeDtypeStruct((M, 128), jnp.float32),
        scratch_types=[
            pltpu.VMEM((bpw,), jnp.int32),
            pltpu.VMEM((bpw, 128), jnp.float32),
            pltpu.SemaphoreType.DMA,
        ],
    )
    def gath(table_hbm, idx_hbm, out_hbm, idx_v, rows_v, sem):
        wid = lax.axis_index("s") * nc + lax.axis_index("c")
        base = wid * bpw
        pltpu.sync_copy(idx_hbm.at[pl.ds(base, bpw)], idx_v)
        pltpu.async_copy(table_hbm.at[idx_v], rows_v, sem).wait()
        pltpu.sync_copy(rows_v, out_hbm.at[pl.ds(base, bpw)])

    return gath


def _score_kernel(cls_ref, max_ref):
    max_ref[...] = jnp.max(cls_ref[...], axis=1, keepdims=True)


def _nms_kernel(vals_ref, pts_ref, bp_ref, ptsT_ref, bpT_ref, clsr_ref,
                clsrT_ref, ctr_ref, ctrT_ref, boxes_ref, scores_ref,
                keep_ref, cid_ref, mask_ref):
    joint = jax.nn.sigmoid(clsr_ref[...]) * jax.nn.sigmoid(ctr_ref[...])
    maxv = jnp.max(joint, axis=1, keepdims=True)
    ji = lax.broadcasted_iota(jnp.int32, joint.shape, 1)
    cid = jnp.min(jnp.where(joint == maxv, ji, NUM_CLASSES), axis=1,
                  keepdims=True)
    cid_ref[...] = cid

    jointT = jax.nn.sigmoid(clsrT_ref[...]) * jax.nn.sigmoid(ctrT_ref[...])
    maxvT = jnp.max(jointT, axis=0, keepdims=True)
    jiT = lax.broadcasted_iota(jnp.int32, jointT.shape, 0)
    cidT = jnp.min(jnp.where(jointT == maxvT, jiT, NUM_CLASSES), axis=0,
                   keepdims=True)

    x = pts_ref[:, 0:1]
    y = pts_ref[:, 1:2]
    l = bp_ref[:, 0:1] * FPN_STRIDE
    t = bp_ref[:, 1:2] * FPN_STRIDE
    r = bp_ref[:, 2:3] * FPN_STRIDE
    b = bp_ref[:, 3:4] * FPN_STRIDE
    x1 = jnp.clip(x - l, 0.0, IMG_W - 1.0)
    y1 = jnp.clip(y - t, 0.0, IMG_H - 1.0)
    x2 = jnp.clip(x + r, 0.0, IMG_W - 1.0)
    y2 = jnp.clip(y + b, 0.0, IMG_H - 1.0)
    off_c = cid.astype(jnp.float32) * (IMG_W + IMG_H + 1.0)
    x1c = x1 + off_c
    y1c = y1 + off_c
    x2c = x2 + off_c
    y2c = y2 + off_c
    area_c = jnp.clip(x2 - x1, 0.0, None) * jnp.clip(y2 - y1, 0.0, None)

    xr = ptsT_ref[0:1, :]
    yr = ptsT_ref[1:2, :]
    lr = bpT_ref[0:1, :] * FPN_STRIDE
    tr = bpT_ref[1:2, :] * FPN_STRIDE
    rr = bpT_ref[2:3, :] * FPN_STRIDE
    br = bpT_ref[3:4, :] * FPN_STRIDE
    x1r = jnp.clip(xr - lr, 0.0, IMG_W - 1.0)
    y1r = jnp.clip(yr - tr, 0.0, IMG_H - 1.0)
    x2r = jnp.clip(xr + rr, 0.0, IMG_W - 1.0)
    y2r = jnp.clip(yr + br, 0.0, IMG_H - 1.0)
    off_r = cidT.astype(jnp.float32) * (IMG_W + IMG_H + 1.0)
    x1rr = x1r + off_r
    y1rr = y1r + off_r
    x2rr = x2r + off_r
    y2rr = y2r + off_r
    area_r = jnp.clip(x2r - x1r, 0.0, None) * jnp.clip(y2r - y1r, 0.0, None)

    iw = jnp.clip(jnp.minimum(x2c, x2rr) - jnp.maximum(x1c, x1rr), 0.0, None)
    ih = jnp.clip(jnp.minimum(y2c, y2rr) - jnp.maximum(y1c, y1rr), 0.0, None)
    inter = iw * ih
    union = area_c + area_r - inter
    ii = lax.broadcasted_iota(jnp.int32, (M, 1), 0)
    jj = lax.broadcasted_iota(jnp.int32, (1, M), 1)
    tri = jnp.where(ii < jj, 1.0, 0.0)
    sup = inter > NMS_THRESHOLD * (union + 1e-9)
    mask_ref[...] = jnp.where(sup, tri, 0.0)

    valid = jnp.where(jj < NMS_PRE_TOPK, 1.0, 0.0)

    def cond(c):
        _, changed, it = c
        return changed & (it < NMS_PRE_TOPK)

    def body(c):
        k, _, it = c
        s = jnp.dot(k, mask_ref[...], preferred_element_type=jnp.float32)
        kn = jnp.where(s > 0.5, 0.0, valid)
        return kn, jnp.any(kn != k), it + 1

    keep, _, _ = lax.while_loop(cond, body, (valid, True, 0))
    keep_ref[...] = keep

    boxes_ref[...] = jnp.concatenate([x1, y1, x2, y2], axis=1)
    scores_ref[...] = jnp.where(ii < NMS_PRE_TOPK,
                                jnp.sqrt(jnp.abs(vals_ref[...])), -1.0)


def kernel(cls_scores, bbox_preds, centernesses, points):
    nblk = N_LOCS // SCORE_BLK
    maxv = pl.pallas_call(
        _score_kernel,
        grid=(nblk,),
        in_specs=[
            pl.BlockSpec((SCORE_BLK, NUM_CLASSES), lambda i: (i, 0)),
        ],
        out_specs=pl.BlockSpec((SCORE_BLK, 1), lambda i: (i, 0)),
        out_shape=jax.ShapeDtypeStruct((N_LOCS, 1), jnp.float32),
    )(cls_scores)
    max_scores = jax.nn.sigmoid(maxv.reshape(N_LOCS)) * jax.nn.sigmoid(
        centernesses)

    top_vals, top_inds = lax.top_k(max_scores, NMS_PRE_TOPK)
    pad = M - NMS_PRE_TOPK
    table = jnp.concatenate(
        [points, bbox_preds, centernesses[:, None], cls_scores,
         jnp.zeros((N_LOCS, 128 - 7 - NUM_CLASSES), jnp.float32)],
        axis=1)
    idx_p = jnp.pad(top_inds, (0, pad))
    rows_g = _make_sc_gather()(table, idx_p)
    pts_p = rows_g[:, 0:2]
    bp_p = rows_g[:, 2:6]
    ctr_p = rows_g[:, 6:7]
    clsr_p = rows_g[:, 7:7 + NUM_CLASSES]

    vals_p = jnp.pad(top_vals, (0, pad), constant_values=-1.0).reshape(M, 1)

    boxes, det_scores, keep, cid = pl.pallas_call(
        _nms_kernel,
        out_shape=(
            jax.ShapeDtypeStruct((M, 4), jnp.float32),
            jax.ShapeDtypeStruct((M, 1), jnp.float32),
            jax.ShapeDtypeStruct((1, M), jnp.float32),
            jax.ShapeDtypeStruct((M, 1), jnp.int32),
        ),
        scratch_shapes=[pltpu.VMEM((M, M), jnp.float32)],
    )(vals_p, pts_p, bp_p, pts_p.T, bp_p.T, clsr_p, clsr_p.T, ctr_p, ctr_p.T)

    boxes = boxes[:NMS_PRE_TOPK]
    det_scores = det_scores.reshape(M)[:NMS_PRE_TOPK]
    keep = keep.reshape(M)[:NMS_PRE_TOPK] > 0.5
    cls = cid.reshape(M)[:NMS_PRE_TOPK]

    kept_scores = jnp.where(keep, det_scores, -1.0)
    post_vals, post_inds = lax.top_k(kept_scores, NMS_POST_TOPK)
    out_boxes = jnp.take(boxes, post_inds, axis=0)
    out_classes = jnp.take(cls, post_inds)
    out = jnp.concatenate([out_boxes, post_vals[:, None]], axis=-1)
    return out, out_classes

# --- scband reference (transcript-rebuilt; emitter-appended) ---
"""Pipeline reference for scband-fcos-82626580840481 (READ-ONLY COPY).

The authoritative reference and input builder live on the scoring server;
editing this copy changes nothing except your own understanding.
"""

import jax, jax.numpy as jnp
import numpy as np

NUM_CLASSES = 80
FPN_STRIDE = 8.0
NMS_PRE_TOPK = 1000
NMS_THRESHOLD = 0.6
NMS_POST_TOPK = 100
IMG_H = 800
IMG_W = 1333
N_LOCS = 20000


def setup_inputs(seed: int = 0) -> dict:
    key = jax.random.key(seed)
    k1, k2, k3, k4 = jax.random.split(key, 4)
    cls_scores = jax.random.normal(k1, (N_LOCS, NUM_CLASSES), dtype=jnp.float32)
    # normalized regression targets (distances / stride), positive
    bbox_preds = jax.random.uniform(k2, (N_LOCS, 4), dtype=jnp.float32) * 8.0
    centernesses = jax.random.normal(k3, (N_LOCS,), dtype=jnp.float32)
    points = jax.random.uniform(k4, (N_LOCS, 2), dtype=jnp.float32) * jnp.array([IMG_W, IMG_H], dtype=jnp.float32)
    return {"cls_scores": cls_scores, "bbox_preds": bbox_preds, "centernesses": centernesses, "points": points}


def distance2bbox(points, distance, max_shape):
    x1 = points[:, 0] - distance[:, 0]
    y1 = points[:, 1] - distance[:, 1]
    x2 = points[:, 0] + distance[:, 2]
    y2 = points[:, 1] + distance[:, 3]
    x1 = jnp.clip(x1, 0.0, max_shape[1] - 1)
    y1 = jnp.clip(y1, 0.0, max_shape[0] - 1)
    x2 = jnp.clip(x2, 0.0, max_shape[1] - 1)
    y2 = jnp.clip(y2, 0.0, max_shape[0] - 1)
    return jnp.stack([x1, y1, x2, y2], axis=-1)


def _iou_matrix(boxes):
    x1, y1, x2, y2 = boxes[:, 0], boxes[:, 1], boxes[:, 2], boxes[:, 3]
    areas = jnp.clip(x2 - x1, 0.0) * jnp.clip(y2 - y1, 0.0)
    xx1 = jnp.maximum(x1[:, None], x1[None, :])
    yy1 = jnp.maximum(y1[:, None], y1[None, :])
    xx2 = jnp.minimum(x2[:, None], x2[None, :])
    yy2 = jnp.minimum(y2[:, None], y2[None, :])
    inter = jnp.clip(xx2 - xx1, 0.0) * jnp.clip(yy2 - yy1, 0.0)
    union = areas[:, None] + areas[None, :] - inter
    return inter / (union + 1e-9)


def _ml_nms(boxes, scores, class_ids, thresh):
    # class-aware (multi-label) NMS via per-class coordinate offsets
    max_coord = IMG_W + IMG_H
    offsets = class_ids.astype(boxes.dtype) * (max_coord + 1.0)
    boxes_off = boxes + offsets[:, None]
    iou = _iou_matrix(boxes_off)
    m = boxes.shape[0]
    idxs = jnp.arange(m)

    def body(i, keep):
        sup = (iou[i] > thresh) & (idxs > i) & keep[i]
        return keep & (~sup)

    keep = jax.lax.fori_loop(0, m, body, jnp.ones((m,), dtype=bool))
    return keep


def reference(cls_scores, bbox_preds, centernesses, points):
    # decode (normalize_reg_targets=True -> multiply by fpn stride)
    bbox_pred = bbox_preds * FPN_STRIDE
    scores = jax.nn.sigmoid(cls_scores)
    ctr = jax.nn.sigmoid(centernesses)
    joint = scores * ctr[:, None]
    max_scores = jnp.max(joint, axis=1)
    class_id = jnp.argmax(joint, axis=1)

    # pre-NMS top-k
    top_vals, top_inds = jax.lax.top_k(max_scores, NMS_PRE_TOPK)
    pts = jnp.take(points, top_inds, axis=0)
    bp = jnp.take(bbox_pred, top_inds, axis=0)
    cls = jnp.take(class_id, top_inds, axis=0)
    bboxes = distance2bbox(pts, bp, (IMG_H, IMG_W))
    det_scores = jnp.sqrt(top_vals)

    keep = _ml_nms(bboxes, det_scores, cls, NMS_THRESHOLD)
    kept_scores = jnp.where(keep, det_scores, -1.0)
    post_vals, post_inds = jax.lax.top_k(kept_scores, NMS_POST_TOPK)
    out_boxes = jnp.take(bboxes, post_inds, axis=0)
    out_classes = jnp.take(cls, post_inds, axis=0)
    out = jnp.concatenate([out_boxes, post_vals[:, None]], axis=-1)
    return out, out_classes

if __name__ == "__main__":
    import jax
    _d = setup_inputs()
    print(jax.jit(kernel)(*tuple(_d.values())))

</pallas_src>

<mosaic_0001>
#map = affine_map<(d0, d1) -> (0, 0)>
#map1 = affine_map<(d0, d1) -> (0)>
module attributes {stable_mosaic.version = 14 : i64} {
  func.func @gath(%arg0: i32, %arg1: i32, %arg2: memref<20000x128xf32, #tpu.memory_space<hbm>>, %arg3: memref<1024xi32, #tpu.memory_space<hbm>>, %arg4: memref<1024x128xf32, #tpu.memory_space<hbm>>, %arg5: memref<32xi32, #tpu.memory_space<vmem>>, %arg6: memref<32x128xf32, #tpu.memory_space<vmem>>, %arg7: memref<!tpu.dma_semaphore, #tpu.memory_space<semaphore_mem>>) attributes {dimension_semantics = [#tpu.dimension_semantics<core_parallel>, #tpu.dimension_semantics<subcore_parallel>], iteration_bounds = array<i64: 2, 16>, scalar_prefetch = 0 : i64, scratch_operands = 3 : i64, tpu.core_type = #tpu.core_type<sc_vector_subcore>, window_params = [{transform_indices = #map}, {transform_indices = #map1}, {transform_indices = #map}]} {
    %mul3A = arith.constant 2 : i32
    %mul3A_0 = arith.muli %arg1, %mul3A : i32
    %add3A = arith.addi %mul3A_0, %arg0 : i32
    %mul3A_1 = arith.constant 32 : i32
    %mul3A_2 = arith.muli %add3A, %mul3A_1 : i32
    "tpu.region"() ({
      %run_scoped3A = tpu.sem_alloc : memref<!tpu.dma_semaphore, #tpu.memory_space<semaphore_mem>>
      %dma_start3A_7 = tpu.memref_slice %arg3[%mul3A_2] : memref<1024xi32, #tpu.memory_space<hbm>> -> memref<32xi32, #tpu.memory_space<hbm>>
      %dma_start3A_8 = tpu.memref_slice %arg3[%mul3A_2] : memref<1024xi32, #tpu.memory_space<hbm>> -> memref<32xi32, #tpu.memory_space<hbm>>
      tpu.enqueue_dma source(%dma_start3A_8 : memref<32xi32, #tpu.memory_space<hbm>>) target(%arg5 : memref<32xi32, #tpu.memory_space<vmem>>) target_semaphore(%run_scoped3A : memref<!tpu.dma_semaphore, #tpu.memory_space<semaphore_mem>>)
      %dma_wait3A_9 = tpu.memref_slice %arg3[%mul3A_2] : memref<1024xi32, #tpu.memory_space<hbm>> -> memref<32xi32, #tpu.memory_space<hbm>>
      %dma_wait3A_10 = tpu.memref_slice %arg3[%mul3A_2] : memref<1024xi32, #tpu.memory_space<hbm>> -> memref<32xi32, #tpu.memory_space<hbm>>
      tpu.wait_dma2 semaphore(%run_scoped3A : memref<!tpu.dma_semaphore, #tpu.memory_space<semaphore_mem>>) src(%dma_wait3A_10 : memref<32xi32, #tpu.memory_space<hbm>>) dst(%arg5 : memref<32xi32, #tpu.memory_space<vmem>>)
      tpu.yield
    }) : () -> ()
    %dma_start3A = arith.constant 0 : i32
    %dma_start3A_3 = arith.constant 0 : i32
    %dma_start3A_4 = tpu.memref_slice %arg2[%dma_start3A, %dma_start3A_3] : memref<20000x128xf32, #tpu.memory_space<hbm>> -> memref<20000x128xf32, #tpu.memory_space<hbm>>
    tpu.enqueue_indirect_dma source(%dma_start3A_4 : memref<20000x128xf32, #tpu.memory_space<hbm>>) target(%arg6 : memref<32x128xf32, #tpu.memory_space<vmem>>) offsets(%arg5 : memref<32xi32, #tpu.memory_space<vmem>>) semaphore(%arg7 : memref<!tpu.dma_semaphore, #tpu.memory_space<semaphore_mem>>)
    %dma_wait3A = arith.constant 0 : i32
    %dma_wait3A_5 = arith.constant 0 : i32
    %dma_wait3A_6 = tpu.memref_slice %arg2[%dma_wait3A, %dma_wait3A_5] : memref<20000x128xf32, #tpu.memory_space<hbm>> -> memref<20000x128xf32, #tpu.memory_space<hbm>>
    tpu.wait_indirect_dma semaphore(%arg7 : memref<!tpu.dma_semaphore, #tpu.memory_space<semaphore_mem>>) src(%dma_wait3A_6 : memref<20000x128xf32, #tpu.memory_space<hbm>>) dst(%arg6 : memref<32x128xf32, #tpu.memory_space<vmem>>)
    "tpu.region"() ({
      %run_scoped3A = tpu.sem_alloc : memref<!tpu.dma_semaphore, #tpu.memory_space<semaphore_mem>>
      %dma_start3A_7 = arith.constant 0 : i32
      %dma_start3A_8 = tpu.memref_slice %arg4[%mul3A_2, %dma_start3A_7] : memref<1024x128xf32, #tpu.memory_space<hbm>> -> memref<32x128xf32, #tpu.memory_space<hbm>>
      %dma_start3A_9 = arith.constant 0 : i32
      %dma_start3A_10 = tpu.memref_slice %arg4[%mul3A_2, %dma_start3A_9] : memref<1024x128xf32, #tpu.memory_space<hbm>> -> memref<32x128xf32, #tpu.memory_space<hbm>>
      tpu.enqueue_dma source(%arg6 : memref<32x128xf32, #tpu.memory_space<vmem>>) target(%dma_start3A_10 : memref<32x128xf32, #tpu.memory_space<hbm>>) target_semaphore(%run_scoped3A : memref<!tpu.dma_semaphore, #tpu.memory_space<semaphore_mem>>)
      %dma_wait3A_11 = arith.constant 0 : i32
      %dma_wait3A_12 = tpu.memref_slice %arg4[%mul3A_2, %dma_wait3A_11] : memref<1024x128xf32, #tpu.memory_space<hbm>> -> memref<32x128xf32, #tpu.memory_space<hbm>>
      %dma_wait3A_13 = arith.constant 0 : i32
      %dma_wait3A_14 = tpu.memref_slice %arg4[%mul3A_2, %dma_wait3A_13] : memref<1024x128xf32, #tpu.memory_space<hbm>> -> memref<32x128xf32, #tpu.memory_space<hbm>>
      tpu.wait_dma2 semaphore(%run_scoped3A : memref<!tpu.dma_semaphore, #tpu.memory_space<semaphore_mem>>) src(%arg6 : memref<32x128xf32, #tpu.memory_space<vmem>>) dst(%dma_wait3A_14 : memref<32x128xf32, #tpu.memory_space<hbm>>)
      tpu.yield
    }) : () -> ()
    return
  }
}

module attributes {stable_mosaic.version = 14 : i64} {
  func.func @_score_kernel(%arg0: i32, %arg1: memref<2000x80xf32, #tpu.memory_space<vmem>>, %arg2: memref<2000x1xf32, #tpu.memory_space<vmem>>) attributes {dimension_semantics = [#tpu.dimension_semantics<arbitrary>], iteration_bounds = array<i64: 10>, scalar_prefetch = 0 : i64, scratch_operands = 0 : i64, tpu.core_type = #tpu.core_type<tc>, window_params = [{transform_indices = @transform_0, window_bounds = array<i64: 2000, 80>}, {transform_indices = @transform_1, window_bounds = array<i64: 2000, 1>}]} {
    %get3A = arith.constant 0 : index
    %get3A_0 = arith.constant 0 : index
    %get3A_1 = vector.load %arg1[%get3A, %get3A_0] : memref<2000x80xf32, #tpu.memory_space<vmem>>, vector<2000x80xf32>
    %reduce_max3A = arith.constant dense<0xFF800000> : vector<2000xf32>
    %reduce_max3A_2 = vector.multi_reduction <maximumf>, %get3A_1, %reduce_max3A [1] : vector<2000x80xf32> to vector<2000xf32>
    %broadcast_in_dim3A = vector.shape_cast %reduce_max3A_2 : vector<2000xf32> to vector<2000x1xf32>
    %swap3A = arith.constant 0 : index
    %swap3A_3 = arith.constant 0 : index
    %swap3A_4 = vector.load %arg2[%swap3A, %swap3A_3] : memref<2000x1xf32, #tpu.memory_space<vmem>>, vector<2000x1xf32>
    tpu.vector_store %arg2[%swap3A, %swap3A_3], %broadcast_in_dim3A {strides = array<i32>} : memref<2000x1xf32, #tpu.memory_space<vmem>>, vector<2000x1xf32>,
    return
  }
  func.func @transform_0(%arg0: i32) -> (i32, i32) {
    %c0_i32 = arith.constant 0 : i32
    %c0_i32_0 = arith.constant 0 : i32
    return %arg0, %c0_i32 : i32, i32
  }
  func.func @transform_1(%arg0: i32) -> (i32, i32) {
    %c0_i32 = arith.constant 0 : i32
    %c0_i32_0 = arith.constant 0 : i32
    return %arg0, %c0_i32 : i32, i32
  }
}

module attributes {stable_mosaic.version = 14 : i64} {
  func.func @_nms_kernel(%arg0: memref<1024x1xf32, #tpu.memory_space<vmem>>, %arg1: memref<1024x2xf32, #tpu.memory_space<vmem>>, %arg2: memref<1024x4xf32, #tpu.memory_space<vmem>>, %arg3: memref<2x1024xf32, #tpu.memory_space<vmem>>, %arg4: memref<4x1024xf32, #tpu.memory_space<vmem>>, %arg5: memref<1024x80xf32, #tpu.memory_space<vmem>>, %arg6: memref<80x1024xf32, #tpu.memory_space<vmem>>, %arg7: memref<1024x1xf32, #tpu.memory_space<vmem>>, %arg8: memref<1x1024xf32, #tpu.memory_space<vmem>>, %arg9: memref<1024x4xf32, #tpu.memory_space<vmem>>, %arg10: memref<1024x1xf32, #tpu.memory_space<vmem>>, %arg11: memref<1x1024xf32, #tpu.memory_space<vmem>>, %arg12: memref<1024x1xi32, #tpu.memory_space<vmem>>, %arg13: memref<1024x1024xf32, #tpu.memory_space<vmem>>) attributes {dimension_semantics = [], scalar_prefetch = 0 : i64, scratch_operands = 1 : i64, tpu.core_type = #tpu.core_type<tc>} {
    %get3A = arith.constant 0 : index
    %get3A_0 = arith.constant 0 : index
    %get3A_1 = vector.load %arg5[%get3A, %get3A_0] : memref<1024x80xf32, #tpu.memory_space<vmem>>, vector<1024x80xf32>
    %logistic3A = arith.negf %get3A_1 : vector<1024x80xf32>
    %logistic3A_2 = math.exp %logistic3A : vector<1024x80xf32>
    %logistic3A_3 = arith.constant 1.000000e+00 : f32
    %logistic3A_4 = vector.broadcast %logistic3A_3 : f32 to vector<1024x80xf32>
    %logistic3A_5 = arith.addf %logistic3A_4, %logistic3A_2 : vector<1024x80xf32>
    %logistic3A_6 = arith.divf %logistic3A_4, %logistic3A_5 : vector<1024x80xf32>
    %get3A_7 = arith.constant 0 : index
    %get3A_8 = arith.constant 0 : index
    %get3A_9 = vector.load %arg7[%get3A_7, %get3A_8] : memref<1024x1xf32, #tpu.memory_space<vmem>>, vector<1024x1xf32>
    %logistic3A_10 = arith.negf %get3A_9 : vector<1024x1xf32>
    %logistic3A_11 = math.exp %logistic3A_10 : vector<1024x1xf32>
    %logistic3A_12 = arith.constant 1.000000e+00 : f32
    %logistic3A_13 = vector.broadcast %logistic3A_12 : f32 to vector<1024x1xf32>
    %logistic3A_14 = arith.addf %logistic3A_13, %logistic3A_11 : vector<1024x1xf32>
    %logistic3A_15 = arith.divf %logistic3A_13, %logistic3A_14 : vector<1024x1xf32>
    %mul3A = vector.broadcast %logistic3A_15 : vector<1024x1xf32> to vector<1024x80xf32>
    %mul3A_16 = arith.mulf %logistic3A_6, %mul3A : vector<1024x80xf32>
    %reduce_max3A = arith.constant dense<0xFF800000> : vector<1024xf32>
    %reduce_max3A_17 = vector.multi_reduction <maximumf>, %mul3A_16, %reduce_max3A [1] : vector<1024x80xf32> to vector<1024xf32>
    %broadcast_in_dim3A = vector.shape_cast %reduce_max3A_17 : vector<1024xf32> to vector<1024x1xf32>
    %iota3A = tpu.iota {dimensions = array<i32: 1>} : vector<1024x80xi32>
    %eq3A = vector.broadcast %broadcast_in_dim3A : vector<1024x1xf32> to vector<1024x80xf32>
    %eq3A_18 = arith.cmpf oeq, %mul3A_16, %eq3A : vector<1024x80xf32>
    %jit3A = arith.constant 80 : i32
    %broadcast_in_dim3A_19 = vector.broadcast %jit3A : i32 to vector<1024x80xi32>
    %select_n3A = arith.select %eq3A_18, %iota3A, %broadcast_in_dim3A_19 : vector<1024x80xi1>, vector<1024x80xi32>
    %reduce_min3A = arith.constant dense<2147483647> : vector<1024xi32>
    %reduce_min3A_20 = vector.multi_reduction <minsi>, %select_n3A, %reduce_min3A [1] : vector<1024x80xi32> to vector<1024xi32>
    %broadcast_in_dim3A_21 = vector.shape_cast %reduce_min3A_20 : vector<1024xi32> to vector<1024x1xi32>
    %swap3A = arith.constant 0 : index
    %swap3A_22 = arith.constant 0 : index
    %swap3A_23 = vector.load %arg12[%swap3A, %swap3A_22] : memref<1024x1xi32, #tpu.memory_space<vmem>>, vector<1024x1xi32>
    tpu.vector_store %arg12[%swap3A, %swap3A_22], %broadcast_in_dim3A_21 {strides = array<i32>} : memref<1024x1xi32, #tpu.memory_space<vmem>>, vector<1024x1xi32>,
    %get3A_24 = arith.constant 0 : index
    %get3A_25 = arith.constant 0 : index
    %get3A_26 = vector.load %arg6[%get3A_24, %get3A_25] : memref<80x1024xf32, #tpu.memory_space<vmem>>, vector<80x1024xf32>
    %logistic3A_27 = arith.negf %get3A_26 : vector<80x1024xf32>
    %logistic3A_28 = math.exp %logistic3A_27 : vector<80x1024xf32>
    %logistic3A_29 = arith.constant 1.000000e+00 : f32
    %logistic3A_30 = vector.broadcast %logistic3A_29 : f32 to vector<80x1024xf32>
    %logistic3A_31 = arith.addf %logistic3A_30, %logistic3A_28 : vector<80x1024xf32>
    %logistic3A_32 = arith.divf %logistic3A_30, %logistic3A_31 : vector<80x1024xf32>
    %get3A_33 = arith.constant 0 : index
    %get3A_34 = arith.constant 0 : index
    %get3A_35 = vector.load %arg8[%get3A_33, %get3A_34] : memref<1x1024xf32, #tpu.memory_space<vmem>>, vector<1x1024xf32>
    %logistic3A_36 = arith.negf %get3A_35 : vector<1x1024xf32>
    %logistic3A_37 = math.exp %logistic3A_36 : vector<1x1024xf32>
    %logistic3A_38 = arith.constant 1.000000e+00 : f32
    %logistic3A_39 = vector.broadcast %logistic3A_38 : f32 to vector<1x1024xf32>
    %logistic3A_40 = arith.addf %logistic3A_39, %logistic3A_37 : vector<1x1024xf32>
    %logistic3A_41 = arith.divf %logistic3A_39, %logistic3A_40 : vector<1x1024xf32>
    %mul3A_42 = vector.broadcast %logistic3A_41 : vector<1x1024xf32> to vector<80x1024xf32>
    %mul3A_43 = arith.mulf %logistic3A_32, %mul3A_42 : vector<80x1024xf32>
    %reduce_max3A_44 = arith.constant dense<0xFF800000> : vector<1024xf32>
    %reduce_max3A_45 = vector.multi_reduction <maximumf>, %mul3A_43, %reduce_max3A_44 [0] : vector<80x1024xf32> to vector<1024xf32>
    %broadcast_in_dim3A_46 = vector.shape_cast %reduce_max3A_45 : vector<1024xf32> to vector<1x1024xf32>
    %iota3A_47 = tpu.iota {dimensions = array<i32: 0>} : vector<80x1024xi32>
    %eq3A_48 = vector.broadcast %broadcast_in_dim3A_46 : vector<1x1024xf32> to vector<80x1024xf32>
    %eq3A_49 = arith.cmpf oeq, %mul3A_43, %eq3A_48 : vector<80x1024xf32>
    %jit3A_50 = arith.constant 80 : i32
    %broadcast_in_dim3A_51 = vector.broadcast %jit3A_50 : i32 to vector<80x1024xi32>
    %select_n3A_52 = arith.select %eq3A_49, %iota3A_47, %broadcast_in_dim3A_51 : vector<80x1024xi1>, vector<80x1024xi32>
    %reduce_min3A_53 = arith.constant dense<2147483647> : vector<1024xi32>
    %reduce_min3A_54 = vector.multi_reduction <minsi>, %select_n3A_52, %reduce_min3A_53 [0] : vector<80x1024xi32> to vector<1024xi32>
    %broadcast_in_dim3A_55 = vector.shape_cast %reduce_min3A_54 : vector<1024xi32> to vector<1x1024xi32>
    %get3A_56 = arith.constant 0 : index
    %get3A_57 = arith.constant 0 : index
    %get3A_58 = vector.load %arg1[%get3A_56, %get3A_57] : memref<1024x2xf32, #tpu.memory_space<vmem>>, vector<1024x1xf32>
    %get3A_59 = arith.constant 0 : index
    %get3A_60 = arith.constant 1 : index
    %get3A_61 = vector.load %arg1[%get3A_59, %get3A_60] : memref<1024x2xf32, #tpu.memory_space<vmem>>, vector<1024x1xf32>
    %get3A_62 = arith.constant 0 : index
    %get3A_63 = arith.constant 0 : index
    %get3A_64 = vector.load %arg2[%get3A_62, %get3A_63] : memref<1024x4xf32, #tpu.memory_space<vmem>>, vector<1024x1xf32>
    %mul3A_65 = arith.constant 8.000000e+00 : f32
    %mul3A_66 = vector.broadcast %mul3A_65 : f32 to vector<1024x1xf32>
    %mul3A_67 = arith.mulf %get3A_64, %mul3A_66 : vector<1024x1xf32>
    %get3A_68 = arith.constant 0 : index
    %get3A_69 = arith.constant 1 : index
    %get3A_70 = vector.load %arg2[%get3A_68, %get3A_69] : memref<1024x4xf32, #tpu.memory_space<vmem>>, vector<1024x1xf32>
    %mul3A_71 = arith.constant 8.000000e+00 : f32
    %mul3A_72 = vector.broadcast %mul3A_71 : f32 to vector<1024x1xf32>
    %mul3A_73 = arith.mulf %get3A_70, %mul3A_72 : vector<1024x1xf32>
    %get3A_74 = arith.constant 0 : index
    %get3A_75 = arith.constant 2 : index
    %get3A_76 = vector.load %arg2[%get3A_74, %get3A_75] : memref<1024x4xf32, #tpu.memory_space<vmem>>, vector<1024x1xf32>
    %mul3A_77 = arith.constant 8.000000e+00 : f32
    %mul3A_78 = vector.broadcast %mul3A_77 : f32 to vector<1024x1xf32>
    %mul3A_79 = arith.mulf %get3A_76, %mul3A_78 : vector<1024x1xf32>
    %get3A_80 = arith.constant 0 : index
    %get3A_81 = arith.constant 3 : index
    %get3A_82 = vector.load %arg2[%get3A_80, %get3A_81] : memref<1024x4xf32, #tpu.memory_space<vmem>>, vector<1024x1xf32>
    %mul3A_83 = arith.constant 8.000000e+00 : f32
    %mul3A_84 = vector.broadcast %mul3A_83 : f32 to vector<1024x1xf32>
    %mul3A_85 = arith.mulf %get3A_82, %mul3A_84 : vector<1024x1xf32>
    %sub3A = arith.subf %get3A_58, %mul3A_67 : vector<1024x1xf32>
    %jit3A_86 = arith.constant 0.000000e+00 : f32
    %jit3A_87 = arith.constant 1.332000e+03 : f32
    %max3A = vector.broadcast %jit3A_86 : f32 to vector<1024x1xf32>
    %max3A_88 = arith.maximumf %max3A, %sub3A : vector<1024x1xf32>
    %min3A = vector.broadcast %jit3A_87 : f32 to vector<1024x1xf32>
    %min3A_89 = arith.minimumf %min3A, %max3A_88 : vector<1024x1xf32>
    %sub3A_90 = arith.subf %get3A_61, %mul3A_73 : vector<1024x1xf32>
    %jit3A_91 = arith.constant 0.000000e+00 : f32
    %jit3A_92 = arith.constant 7.990000e+02 : f32
    %max3A_93 = vector.broadcast %jit3A_91 : f32 to vector<1024x1xf32>
    %max3A_94 = arith.maximumf %max3A_93, %sub3A_90 : vector<1024x1xf32>
    %min3A_95 = vector.broadcast %jit3A_92 : f32 to vector<1024x1xf32>
    %min3A_96 = arith.minimumf %min3A_95, %max3A_94 : vector<1024x1xf32>
    %add3A = arith.addf %get3A_58, %mul3A_79 : vector<1024x1xf32>
    %jit3A_97 = arith.constant 0.000000e+00 : f32
    %jit3A_98 = arith.constant 1.332000e+03 : f32
    %max3A_99 = vector.broadcast %jit3A_97 : f32 to vector<1024x1xf32>
    %max3A_100 = arith.maximumf %max3A_99, %add3A : vector<1024x1xf32>
    %min3A_101 = vector.broadcast %jit3A_98 : f32 to vector<1024x1xf32>
    %min3A_102 = arith.minimumf %min3A_101, %max3A_100 : vector<1024x1xf32>
    %add3A_103 = arith.addf %get3A_61, %mul3A_85 : vector<1024x1xf32>
    %jit3A_104 = arith.constant 0.000000e+00 : f32
    %jit3A_105 = arith.constant 7.990000e+02 : f32
    %max3A_106 = vector.broadcast %jit3A_104 : f32 to vector<1024x1xf32>
    %max3A_107 = arith.maximumf %max3A_106, %add3A_103 : vector<1024x1xf32>
    %min3A_108 = vector.broadcast %jit3A_105 : f32 to vector<1024x1xf32>
    %min3A_109 = arith.minimumf %min3A_108, %max3A_107 : vector<1024x1xf32>
    %convert_element_type3A = arith.sitofp %broadcast_in_dim3A_21 : vector<1024x1xi32> to vector<1024x1xf32>
    %mul3A_110 = arith.constant 2.134000e+03 : f32
    %mul3A_111 = vector.broadcast %mul3A_110 : f32 to vector<1024x1xf32>
    %mul3A_112 = arith.mulf %convert_element_type3A, %mul3A_111 : vector<1024x1xf32>
    %add3A_113 = arith.addf %min3A_89, %mul3A_112 : vector<1024x1xf32>
    %add3A_114 = arith.addf %min3A_96, %mul3A_112 : vector<1024x1xf32>
    %add3A_115 = arith.addf %min3A_102, %mul3A_112 : vector<1024x1xf32>
    %add3A_116 = arith.addf %min3A_109, %mul3A_112 : vector<1024x1xf32>
    %sub3A_117 = arith.subf %min3A_102, %min3A_89 : vector<1024x1xf32>
    %jit3A_118 = arith.constant 0.000000e+00 : f32
    %max3A_119 = vector.broadcast %jit3A_118 : f32 to vector<1024x1xf32>
    %max3A_120 = arith.maximumf %max3A_119, %sub3A_117 : vector<1024x1xf32>
    %sub3A_121 = arith.subf %min3A_109, %min3A_96 : vector<1024x1xf32>
    %jit3A_122 = arith.constant 0.000000e+00 : f32
    %max3A_123 = vector.broadcast %jit3A_122 : f32 to vector<1024x1xf32>
    %max3A_124 = arith.maximumf %max3A_123, %sub3A_121 : vector<1024x1xf32>
    %mul3A_125 = arith.mulf %max3A_120, %max3A_124 : vector<1024x1xf32>
    %get3A_126 = arith.constant 0 : index
    %get3A_127 = arith.constant 0 : index
    %get3A_128 = vector.load %arg3[%get3A_126, %get3A_127] : memref<2x1024xf32, #tpu.memory_space<vmem>>, vector<1x1024xf32>
    %get3A_129 = arith.constant 1 : index
    %get3A_130 = arith.constant 0 : index
    %get3A_131 = vector.load %arg3[%get3A_129, %get3A_130] : memref<2x1024xf32, #tpu.memory_space<vmem>>, vector<1x1024xf32>
    %get3A_132 = arith.constant 0 : index
    %get3A_133 = arith.constant 0 : index
    %get3A_134 = vector.load %arg4[%get3A_132, %get3A_133] : memref<4x1024xf32, #tpu.memory_space<vmem>>, vector<1x1024xf32>
    %mul3A_135 = arith.constant 8.000000e+00 : f32
    %mul3A_136 = vector.broadcast %mul3A_135 : f32 to vector<1x1024xf32>
    %mul3A_137 = arith.mulf %get3A_134, %mul3A_136 : vector<1x1024xf32>
    %get3A_138 = arith.constant 1 : index
    %get3A_139 = arith.constant 0 : index
    %get3A_140 = vector.load %arg4[%get3A_138, %get3A_139] : memref<4x1024xf32, #tpu.memory_space<vmem>>, vector<1x1024xf32>
    %mul3A_141 = arith.constant 8.000000e+00 : f32
    %mul3A_142 = vector.broadcast %mul3A_141 : f32 to vector<1x1024xf32>
    %mul3A_143 = arith.mulf %get3A_140, %mul3A_142 : vector<1x1024xf32>
    %get3A_144 = arith.constant 2 : index
    %get3A_145 = arith.constant 0 : index
    %get3A_146 = vector.load %arg4[%get3A_144, %get3A_145] : memref<4x1024xf32, #tpu.memory_space<vmem>>, vector<1x1024xf32>
    %mul3A_147 = arith.constant 8.000000e+00 : f32
    %mul3A_148 = vector.broadcast %mul3A_147 : f32 to vector<1x1024xf32>
    %mul3A_149 = arith.mulf %get3A_146, %mul3A_148 : vector<1x1024xf32>
    %get3A_150 = arith.constant 3 : index
    %get3A_151 = arith.constant 0 : index
    %get3A_152 = vector.load %arg4[%get3A_150, %get3A_151] : memref<4x1024xf32, #tpu.memory_space<vmem>>, vector<1x1024xf32>
    %mul3A_153 = arith.constant 8.000000e+00 : f32
    %mul3A_154 = vector.broadcast %mul3A_153 : f32 to vector<1x1024xf32>
    %mul3A_155 = arith.mulf %get3A_152, %mul3A_154 : vector<1x1024xf32>
    %sub3A_156 = arith.subf %get3A_128, %mul3A_137 : vector<1x1024xf32>
    %jit3A_157 = arith.constant 0.000000e+00 : f32
    %jit3A_158 = arith.constant 1.332000e+03 : f32
    %max3A_159 = vector.broadcast %jit3A_157 : f32 to vector<1x1024xf32>
    %max3A_160 = arith.maximumf %max3A_159, %sub3A_156 : vector<1x1024xf32>
    %min3A_161 = vector.broadcast %jit3A_158 : f32 to vector<1x1024xf32>
    %min3A_162 = arith.minimumf %min3A_161, %max3A_160 : vector<1x1024xf32>
    %sub3A_163 = arith.subf %get3A_131, %mul3A_143 : vector<1x1024xf32>
    %jit3A_164 = arith.constant 0.000000e+00 : f32
    %jit3A_165 = arith.constant 7.990000e+02 : f32
    %max3A_166 = vector.broadcast %jit3A_164 : f32 to vector<1x1024xf32>
    %max3A_167 = arith.maximumf %max3A_166, %sub3A_163 : vector<1x1024xf32>
    %min3A_168 = vector.broadcast %jit3A_165 : f32 to vector<1x1024xf32>
    %min3A_169 = arith.minimumf %min3A_168, %max3A_167 : vector<1x1024xf32>
    %add3A_170 = arith.addf %get3A_128, %mul3A_149 : vector<1x1024xf32>
    %jit3A_171 = arith.constant 0.000000e+00 : f32
    %jit3A_172 = arith.constant 1.332000e+03 : f32
    %max3A_173 = vector.broadcast %jit3A_171 : f32 to vector<1x1024xf32>
    %max3A_174 = arith.maximumf %max3A_173, %add3A_170 : vector<1x1024xf32>
    %min3A_175 = vector.broadcast %jit3A_172 : f32 to vector<1x1024xf32>
    %min3A_176 = arith.minimumf %min3A_175, %max3A_174 : vector<1x1024xf32>
    %add3A_177 = arith.addf %get3A_131, %mul3A_155 : vector<1x1024xf32>
    %jit3A_178 = arith.constant 0.000000e+00 : f32
    %jit3A_179 = arith.constant 7.990000e+02 : f32
    %max3A_180 = vector.broadcast %jit3A_178 : f32 to vector<1x1024xf32>
    %max3A_181 = arith.maximumf %max3A_180, %add3A_177 : vector<1x1024xf32>
    %min3A_182 = vector.broadcast %jit3A_179 : f32 to vector<1x1024xf32>
    %min3A_183 = arith.minimumf %min3A_182, %max3A_181 : vector<1x1024xf32>
    %convert_element_type3A_184 = arith.sitofp %broadcast_in_dim3A_55 : vector<1x1024xi32> to vector<1x1024xf32>
    %mul3A_185 = arith.constant 2.134000e+03 : f32
    %mul3A_186 = vector.broadcast %mul3A_185 : f32 to vector<1x1024xf32>
    %mul3A_187 = arith.mulf %convert_element_type3A_184, %mul3A_186 : vector<1x1024xf32>
    %add3A_188 = arith.addf %min3A_162, %mul3A_187 : vector<1x1024xf32>
    %add3A_189 = arith.addf %min3A_169, %mul3A_187 : vector<1x1024xf32>
    %add3A_190 = arith.addf %min3A_176, %mul3A_187 : vector<1x1024xf32>
    %add3A_191 = arith.addf %min3A_183, %mul3A_187 : vector<1x1024xf32>
    %sub3A_192 = arith.subf %min3A_176, %min3A_162 : vector<1x1024xf32>
    %jit3A_193 = arith.constant 0.000000e+00 : f32
    %max3A_194 = vector.broadcast %jit3A_193 : f32 to vector<1x1024xf32>
    %max3A_195 = arith.maximumf %max3A_194, %sub3A_192 : vector<1x1024xf32>
    %sub3A_196 = arith.subf %min3A_183, %min3A_169 : vector<1x1024xf32>
    %jit3A_197 = arith.constant 0.000000e+00 : f32
    %max3A_198 = vector.broadcast %jit3A_197 : f32 to vector<1x1024xf32>
    %max3A_199 = arith.maximumf %max3A_198, %sub3A_196 : vector<1x1024xf32>
    %mul3A_200 = arith.mulf %max3A_195, %max3A_199 : vector<1x1024xf32>
    %min3A_201 = vector.broadcast %add3A_115 : vector<1024x1xf32> to vector<1024x1024xf32>
    %min3A_202 = vector.broadcast %add3A_190 : vector<1x1024xf32> to vector<1024x1024xf32>
    %min3A_203 = arith.minimumf %min3A_201, %min3A_202 : vector<1024x1024xf32>
    %max3A_204 = vector.broadcast %add3A_113 : vector<1024x1xf32> to vector<1024x1024xf32>
    %max3A_205 = vector.broadcast %add3A_188 : vector<1x1024xf32> to vector<1024x1024xf32>
    %max3A_206 = arith.maximumf %max3A_204, %max3A_205 : vector<1024x1024xf32>
    %sub3A_207 = arith.subf %min3A_203, %max3A_206 : vector<1024x1024xf32>
    %jit3A_208 = arith.constant 0.000000e+00 : f32
    %max3A_209 = vector.broadcast %jit3A_208 : f32 to vector<1024x1024xf32>
    %max3A_210 = arith.maximumf %max3A_209, %sub3A_207 : vector<1024x1024xf32>
    %min3A_211 = vector.broadcast %add3A_116 : vector<1024x1xf32> to vector<1024x1024xf32>
    %min3A_212 = vector.broadcast %add3A_191 : vector<1x1024xf32> to vector<1024x1024xf32>
    %min3A_213 = arith.minimumf %min3A_211, %min3A_212 : vector<1024x1024xf32>
    %max3A_214 = vector.broadcast %add3A_114 : vector<1024x1xf32> to vector<1024x1024xf32>
    %max3A_215 = vector.broadcast %add3A_189 : vector<1x1024xf32> to vector<1024x1024xf32>
    %max3A_216 = arith.maximumf %max3A_214, %max3A_215 : vector<1024x1024xf32>
    %sub3A_217 = arith.subf %min3A_213, %max3A_216 : vector<1024x1024xf32>
    %jit3A_218 = arith.constant 0.000000e+00 : f32
    %max3A_219 = vector.broadcast %jit3A_218 : f32 to vector<1024x1024xf32>
    %max3A_220 = arith.maximumf %max3A_219, %sub3A_217 : vector<1024x1024xf32>
    %mul3A_221 = arith.mulf %max3A_210, %max3A_220 : vector<1024x1024xf32>
    %add3A_222 = vector.broadcast %mul3A_125 : vector<1024x1xf32> to vector<1024x1024xf32>
    %add3A_223 = vector.broadcast %mul3A_200 : vector<1x1024xf32> to vector<1024x1024xf32>
    %add3A_224 = arith.addf %add3A_222, %add3A_223 : vector<1024x1024xf32>
    %sub3A_225 = arith.subf %add3A_224, %mul3A_221 : vector<1024x1024xf32>
    %iota3A_226 = tpu.iota {dimensions = array<i32: 0>} : vector<1024x1xi32>
    %iota3A_227 = tpu.iota {dimensions = array<i32: 1>} : vector<1x1024xi32>
    %lt3A = vector.broadcast %iota3A_226 : vector<1024x1xi32> to vector<1024x1024xi32>
    %lt3A_228 = vector.broadcast %iota3A_227 : vector<1x1024xi32> to vector<1024x1024xi32>
    %lt3A_229 = arith.cmpi slt, %lt3A, %lt3A_228 : vector<1024x1024xi32>
    %jit3A_230 = arith.constant 1.000000e+00 : f32
    %jit3A_231 = arith.constant 0.000000e+00 : f32
    %broadcast_in_dim3A_232 = vector.broadcast %jit3A_230 : f32 to vector<1024x1024xf32>
    %broadcast_in_dim3A_233 = vector.broadcast %jit3A_231 : f32 to vector<1024x1024xf32>
    %select_n3A_234 = arith.select %lt3A_229, %broadcast_in_dim3A_232, %broadcast_in_dim3A_233 : vector<1024x1024xi1>, vector<1024x1024xf32>
    %add3A_235 = arith.constant 9.99999971E-10 : f32
    %add3A_236 = vector.broadcast %add3A_235 : f32 to vector<1024x1024xf32>
    %add3A_237 = arith.addf %sub3A_225, %add3A_236 : vector<1024x1024xf32>
    %mul3A_238 = arith.constant 6.000000e-01 : f32
    %mul3A_239 = vector.broadcast %mul3A_238 : f32 to vector<1024x1024xf32>
    %mul3A_240 = arith.mulf %mul3A_239, %add3A_237 : vector<1024x1024xf32>
    %gt3A = arith.cmpf ogt, %mul3A_221, %mul3A_240 : vector<1024x1024xf32>
    %jit3A_241 = arith.constant 0.000000e+00 : f32
    %broadcast_in_dim3A_242 = vector.broadcast %jit3A_241 : f32 to vector<1024x1024xf32>
    %select_n3A_243 = arith.select %gt3A, %select_n3A_234, %broadcast_in_dim3A_242 : vector<1024x1024xi1>, vector<1024x1024xf32>
    %swap3A_244 = arith.constant 0 : index
    %swap3A_245 = arith.constant 0 : index
    %swap3A_246 = vector.load %arg13[%swap3A_244, %swap3A_245] : memref<1024x1024xf32, #tpu.memory_space<vmem>>, vector<1024x1024xf32>
    tpu.vector_store %arg13[%swap3A_244, %swap3A_245], %select_n3A_243 {strides = array<i32>} : memref<1024x1024xf32, #tpu.memory_space<vmem>>, vector<1024x1024xf32>,
    %lt3A_247 = arith.constant 1000 : i32
    %lt3A_248 = vector.broadcast %lt3A_247 : i32 to vector<1x1024xi32>
    %lt3A_249 = arith.cmpi slt, %iota3A_227, %lt3A_248 : vector<1x1024xi32>
    %jit3A_250 = arith.constant 1.000000e+00 : f32
    %jit3A_251 = arith.constant 0.000000e+00 : f32
    %broadcast_in_dim3A_252 = vector.broadcast %jit3A_250 : f32 to vector<1x1024xf32>
    %broadcast_in_dim3A_253 = vector.broadcast %jit3A_251 : f32 to vector<1x1024xf32>
    %select_n3A_254 = arith.select %lt3A_249, %broadcast_in_dim3A_252, %broadcast_in_dim3A_253 : vector<1x1024xi1>, vector<1x1024xf32>
    %while3A = arith.constant true
    %while3A_255 = arith.constant 0 : i32
    %while3A_256:3 = scf.while (%while3A_275 = %select_n3A_254, %while3A_276 = %while3A, %while3A_277 = %while3A_255) : (vector<1x1024xf32>, i1, i32) -> (vector<1x1024xf32>, i1, i32) {
      %lt3A_278 = arith.constant 1000 : i32
      %lt3A_279 = arith.cmpi slt, %while3A_277, %lt3A_278 : i32
      %and3A = arith.andi %while3A_276, %lt3A_279 : i1
      scf.condition(%and3A) %while3A_275, %while3A_276, %while3A_277 : vector<1x1024xf32>, i1, i32
    } do {
    ^bb0(%while3A_275: vector<1x1024xf32>, %while3A_276: i1, %while3A_277: i32):
      %get3A_278 = arith.constant 0 : index
      %get3A_279 = arith.constant 0 : index
      %get3A_280 = vector.load %arg13[%get3A_278, %get3A_279] : memref<1024x1024xf32, #tpu.memory_space<vmem>>, vector<1024x1024xf32>
      %dot_general3A = arith.constant dense<0.000000e+00> : vector<1x1024xf32>
      %dot_general3A_281 = tpu.matmul %while3A_275, %get3A_280, %dot_general3A {dimension_numbers = #tpu.dot_dimension_numbers<[1], [0], [0], [1], [0, 0, 1, 1], [], []>, transpose_lhs_hint = false} : vector<1x1024xf32>, vector<1024x1024xf32>, vector<1x1024xf32> -> vector<1x1024xf32>
      %gt3A_282 = arith.constant 5.000000e-01 : f32
      %gt3A_283 = vector.broadcast %gt3A_282 : f32 to vector<1x1024xf32>
      %gt3A_284 = arith.cmpf ogt, %dot_general3A_281, %gt3A_283 : vector<1x1024xf32>
      %jit3A_285 = arith.constant 0.000000e+00 : f32
      %broadcast_in_dim3A_286 = vector.broadcast %jit3A_285 : f32 to vector<1x1024xf32>
      %select_n3A_287 = arith.select %gt3A_284, %broadcast_in_dim3A_286, %select_n3A_254 : vector<1x1024xi1>, vector<1x1024xf32>
      %ne3A = arith.cmpf one, %select_n3A_287, %while3A_275 : vector<1x1024xf32>
      %reduce_or3A = arith.constant 1.000000e+00 : f32
      %reduce_or3A_288 = arith.constant 0.000000e+00 : f32
      %reduce_or3A_289 = vector.broadcast %reduce_or3A : f32 to vector<1x1024xf32>
      %reduce_or3A_290 = vector.broadcast %reduce_or3A_288 : f32 to vector<1x1024xf32>
      %reduce_or3A_291 = arith.select %ne3A, %reduce_or3A_289, %reduce_or3A_290 : vector<1x1024xi1>, vector<1x1024xf32>
      %reduce_or3A_292 = vector.shape_cast %reduce_or3A_291 : vector<1x1024xf32> to vector<1x1x1024xf32>
      %reduce_or3A_293 = arith.constant dense<0xFF800000> : vector<1xf32>
      %reduce_or3A_294 = vector.multi_reduction <maximumf>, %reduce_or3A_292, %reduce_or3A_293 [1, 2] : vector<1x1x1024xf32> to vector<1xf32>
      %reduce_or3A_295 = vector.shape_cast %reduce_or3A_294 : vector<1xf32> to vector<1x1x1xf32>
      %reduce_or3A_296 = vector.extract %reduce_or3A_295[0, 0, 0] : f32 from vector<1x1x1xf32>
      %reduce_or3A_297 = arith.constant 0.000000e+00 : f32
      %reduce_or3A_298 = arith.cmpf ogt, %reduce_or3A_296, %reduce_or3A_297 : f32
      %add3A_299 = arith.constant 1 : i32
      %add3A_300 = arith.addi %while3A_277, %add3A_299 : i32
      scf.yield %select_n3A_287, %reduce_or3A_298, %add3A_300 : vector<1x1024xf32>, i1, i32
    }
    %swap3A_257 = arith.constant 0 : index
    %swap3A_258 = arith.constant 0 : index
    %swap3A_259 = vector.load %arg11[%swap3A_257, %swap3A_258] : memref<1x1024xf32, #tpu.memory_space<vmem>>, vector<1x1024xf32>
    tpu.vector_store %arg11[%swap3A_257, %swap3A_258], %while3A_256#0 {strides = array<i32>} : memref<1x1024xf32, #tpu.memory_space<vmem>>, vector<1x1024xf32>,
    %concatenate3A = tpu.concatenate %min3A_89, %min3A_96, %min3A_102, %min3A_109 in 1 : vector<1024x1xf32>, vector<1024x1xf32>, vector<1024x1xf32>, vector<1024x1xf32> -> vector<1024x4xf32>
    %swap3A_260 = arith.constant 0 : index
    %swap3A_261 = arith.constant 0 : index
    %swap3A_262 = vector.load %arg9[%swap3A_260, %swap3A_261] : memref<1024x4xf32, #tpu.memory_space<vmem>>, vector<1024x4xf32>
    tpu.vector_store %arg9[%swap3A_260, %swap3A_261], %concatenate3A {strides = array<i32>} : memref<1024x4xf32, #tpu.memory_space<vmem>>, vector<1024x4xf32>,
    %lt3A_263 = arith.constant 1000 : i32
    %lt3A_264 = vector.broadcast %lt3A_263 : i32 to vector<1024x1xi32>
    %lt3A_265 = arith.cmpi slt, %iota3A_226, %lt3A_264 : vector<1024x1xi32>
    %get3A_266 = arith.constant 0 : index
    %get3A_267 = arith.constant 0 : index
    %get3A_268 = vector.load %arg0[%get3A_266, %get3A_267] : memref<1024x1xf32, #tpu.memory_space<vmem>>, vector<1024x1xf32>
    %abs3A = math.absf %get3A_268 : vector<1024x1xf32>
    %sqrt3A = math.sqrt %abs3A : vector<1024x1xf32>
    %jit3A_269 = arith.constant -1.000000e+00 : f32
    %broadcast_in_dim3A_270 = vector.broadcast %jit3A_269 : f32 to vector<1024x1xf32>
    %select_n3A_271 = arith.select %lt3A_265, %sqrt3A, %broadcast_in_dim3A_270 : vector<1024x1xi1>, vector<1024x1xf32>
    %swap3A_272 = arith.constant 0 : index
    %swap3A_273 = arith.constant 0 : index
    %swap3A_274 = vector.load %arg10[%swap3A_272, %swap3A_273] : memref<1024x1xf32, #tpu.memory_space<vmem>>, vector<1024x1xf32>
    tpu.vector_store %arg10[%swap3A_272, %swap3A_273], %select_n3A_271 {strides = array<i32>} : memref<1024x1xf32, #tpu.memory_space<vmem>>, vector<1024x1xf32>,
    return
  }
}

</mosaic_0001>

<sc_bundles>
// kernel: kernel.5.cloned.1.call-start
scs
__scs_entry_jumppad:
0x0: {  	(pc) =	sbr.rel $0x88, $3  }
0x1: {  	(tag) =	ssettag $0x0;
	lr =	simm.s32 $0x1  }
0x2: {  	[smem:$0x3F9D] =	sst lr;
	_ =	strace $0xD0000000  }
0x3: {  	_ = 	snop  }
0x4: {  	_ = 	snop  }
0x5: {  	_ = 	snop  }
0x6: {  	_ = 	snop  }
0x7: {  	_ = 	snop  }
__scs_overlays_trampoline_lowered:
0x8: {  	[smem:$0x3FAC] =	sst s0  }
0x9: {  	[smem:$0x3FAD] =	sst s1  }
0xa: {  	[smem:$0x3FAE] =	sst s2  }
0xb: {  	[smem:$0x3FAF] =	sst s3  }
0xc: {  	[smem:$0x3FB0] =	sst s4  }
0xd: {  	[smem:$0x3FB1] =	sst s5  }
0xe: {  	[smem:$0x3FB2] =	sst s6  }
0xf: {  	[smem:$0x3FB3] =	sst s7  }
0x10: {  	[smem:$0x3FB4] =	sst s8  }
0x11: {  	[smem:$0x3FB5] =	sst s9;
	s0 =	simm.s32 @!p0 $0x0  }
0x12: {  	s1 =	sld [smem:$0x3F9B];
	s0 =	simm.s32 @p0 $0x1  }
0x13: {  	[smem:$0x3FB6] =	sst s0;
	s0 =	simm.s32 @!p1 $0x0  }
0x14: {  	s2 =	sld [smem:$0x3F9A];
	s0 =	simm.s32 @p1 $0x1  }
0x15: {  	[smem:$0x3FB7] =	sst s0;
	s0 =	simm.s32 @!p2 $0x0  }
0x16: {  	s3 =	sld [smem:$0x3FDB];
	s0 =	simm.s32 @p2 $0x1  }
0x17: {  	s4 =	simm.s32 $0x1BF5;
	[smem:$0x3FB9] =	sst s0  }
0x18: {  	s0 =	sld [smem:$0x3F9C];
	_ =	swait.ge [sflag:s4], $0x0  }
0x19: {  	s7 =	sld [smem:$0x3F9D]  }
0x1a: {  	s8 =	sadd.s32 $0xFFFFE003, lr  }
0x1b: {  	s9 =	sadd.s32 $0xFFFFFEF7, lr;
	s5 =	simm.s32 $0xFFFFFFFF;
	p2 =	slt.u32 s8, $0xFFFFF086  }
0x1c: {  	p1 =	slt.u32 s9, $0xF7A;
	s5 =	simm.s32 @!p2 $0x0  }
0x1d: {  	s5 =	simm.s32 @p1 $0x1;
	p0 =	seq.s32 s7, s2  }
0x1e: {  	s7 =	smul.u32 @!p0 $0xF7A, s2;
	p2 =	seq.s32 @!p0 s5, $0x0  }
0x1f: {  	s9 =	smul.u32 $0xF7A, s1;
	s8 =	simm.s32 @!p0 $0x1BF5;
	p2 =	por !p2, p0  }
0x20: {  	[sflag:s8] =	ssyncset.s32 @!p0 $0xFFFFF086;
	s6 =	sadd.s32 @!p0 s3, s7;
	s7 =	simm.s32 @!p0 $0x108  }
0x21: {  	s3 =	sadd.s32 s3, s9;
	s6 =	sadd.s32 @!p0 $0x88, s6;
	s7 =	simm.s32 @p2 $0x1082  }
0x22: {  	[simem:s7], [sflag:s8] =	dma.local @!p0 [hbm:s6], $0xF7A  }
0x23: {  	s9 =	sor.u32 $0xD0000000, s2;
	s6 =	simm.s32 $0x108;
	_ =	swait.ge @!p0 [sflag:s8], $0x0  }
0x24: {  	s3 =	sadd.s32 $0x88, s3;
	s6 =	simm.s32 @!p1 $0x1082;
	[sflag:s4] =	ssyncset.s32 $0xFFFFF086  }
0x25: {  	[simem:s6], [sflag:s4] =	dma.local [hbm:s3], $0xF7A  }
0x26: {  	[smem:$0x3F9D] =	sst s1;
	(tag) =	ssettag s2;
	_ =	strace s9  }
0x27: {  	s1 =	sld [smem:$0x3FAD]  }
0x28: {  	s2 =	sld [smem:$0x3FAE]  }
0x29: {  	s4 =	sld [smem:$0x3FB0]  }
0x2a: {  	p0 =	seq.s32 s5, $0x0;
	s5 =	sld [smem:$0x3FB1]  }
0x2b: {  	s6 =	sld [smem:$0x3FB2]  }
0x2c: {  	s7 =	sld [smem:$0x3FB3]  }
0x2d: {  	s3 =	simm.s32 $0x108;
	s8 =	sld [smem:$0x3FB4]  }
0x2e: {  	s3 =	simm.s32 @!p0 $0x1082;
	s9 =	sld [smem:$0x3FB5]  }
0x2f: {  	lr =	sadd.s32 s0, s3;
	s0 =	sld [smem:$0x3FAC]  }
0x30: {  	s3 =	sld [smem:$0x3FAF]  }
0x31: {  	[smem:$0x3FB8] =	sst s10  }
0x32: {  	s10 =	sld [smem:$0x3FB6];
	_ =	sdelay $0x3  }
0x33: {  	p0 =	seq.s32 s10, $0x1;
	s10 =	sld [smem:$0x3FB8];
	_ =	sdelay $0x3  }
0x34: {  	[smem:$0x3FB8] =	sst s10  }
0x35: {  	s10 =	sld [smem:$0x3FB7];
	_ =	sdelay $0x3  }
0x36: {  	p1 =	seq.s32 s10, $0x1;
	s10 =	sld [smem:$0x3FB8];
	_ =	sdelay $0x3  }
0x37: {  	[smem:$0x3FB8] =	sst s10  }
0x38: {  	s10 =	sld [smem:$0x3FB9]  }
0x39: {  	_ = 	snop;
	(pc) =	sbr.ind lr, $3  }
0x3a: {  	_ = 	snop  }
0x3b: {  	_ = 	snop  }
0x3c: {  	p2 =	seq.s32 s10, $0x1;
	s10 =	sld [smem:$0x3FB8]  }
0x3d: {  	_ =	shalt  }
0x3e: {  	_ =	shalt  }
0x3f: {  	_ =	shalt  }
0x40: {  	_ =	shalt  }
0x41: {  	_ =	shalt  }
0x42: {  	_ =	shalt  }
0x43: {  	_ =	shalt  }
0x44: {  	_ =	shalt  }
0x45: {  	_ =	shalt  }
0x46: {  	_ =	shalt  }
0x47: {  	_ =	shalt  }
0x48: {  	_ =	shalt  }
0x49: {  	_ =	shalt  }
0x4a: {  	_ =	shalt  }
0x4b: {  	_ =	shalt  }
0x4c: {  	_ =	shalt  }
0x4d: {  	_ =	shalt  }
0x4e: {  	_ =	shalt  }
0x4f: {  	_ =	shalt  }
0x50: {  	_ =	shalt  }
0x51: {  	_ =	shalt  }
0x52: {  	_ =	shalt  }
0x53: {  	_ =	shalt  }
0x54: {  	_ =	shalt  }
0x55: {  	_ =	shalt  }
0x56: {  	_ =	shalt  }
0x57: {  	_ =	shalt  }
0x58: {  	_ =	shalt  }
0x59: {  	_ =	shalt  }
0x5a: {  	_ =	shalt  }
0x5b: {  	_ =	shalt  }
0x5c: {  	_ =	shalt  }
0x5d: {  	_ =	shalt  }
0x5e: {  	_ =	shalt  }
0x5f: {  	_ =	shalt  }
0x60: {  	_ =	shalt  }
0x61: {  	_ =	shalt  }
0x62: {  	_ =	shalt  }
0x63: {  	_ =	shalt  }
0x64: {  	_ =	shalt  }
0x65: {  	_ =	shalt  }
0x66: {  	_ =	shalt  }
0x67: {  	_ =	shalt  }
0x68: {  	_ =	shalt  }
0x69: {  	_ =	shalt  }
0x6a: {  	_ =	shalt  }
0x6b: {  	_ =	shalt  }
0x6c: {  	_ =	shalt  }
0x6d: {  	_ =	shalt  }
0x6e: {  	_ =	shalt  }
0x6f: {  	_ =	shalt  }
0x70: {  	_ =	shalt  }
0x71: {  	_ =	shalt  }
0x72: {  	_ =	shalt  }
0x73: {  	_ =	shalt  }
0x74: {  	_ =	shalt  }
0x75: {  	_ =	shalt  }
0x76: {  	_ =	shalt  }
0x77: {  	_ =	shalt  }
0x78: {  	_ =	shalt  }
0x79: {  	_ =	shalt  }
0x7a: {  	_ =	shalt  }
0x7b: {  	_ =	shalt  }
0x7c: {  	_ =	shalt  }
0x7d: {  	_ =	shalt  }
0x7e: {  	_ =	shalt  }
0x7f: {  	_ =	shalt  }
0x80: {  	_ =	shalt  }
0x81: {  	_ =	shalt  }
0x82: {  	_ =	shalt  }
0x83: {  	_ =	shalt  }
0x84: {  	_ =	shalt  }
0x85: {  	_ =	shalt  }
0x86: {  	_ =	shalt  }
0x87: {  	_ =	shalt  }
.Lfunc_end0:
.L_simem_size_0:
called_computation_lowered:
.L_overlay_start_0:
0x88: {  	s2 =	sld [smem:$0x3FD9]  }
0x89: {  	s3 =	sld [smem:$0x3FFE];
	_ =	sdelay $0x1  }
0x8a: {  	s1 =	srdreg.scid  }
0x8b: {  	s0 =	sand.u32 $0x1, s1  }
0x8c: {  	s14 =	sshll.u32 s0, $0xA;
	s2 =	sadd.s32 s3, s2  }
0x8d: {  	s2 =	sadd.s32 s2, s14  }
0x8e: {  	[smem:$0x3FC4] =	sst s2  }
0x8f: {  	_ = 	snop  }
0x90: {  	s2 =	sld [smem:$0x3FD0];
	_ =	sdelay $0x2  }
0x91: {  	s15 =	simm.s32 $0xA;
	s4 =	simm.s32 $0x10  }
0x92: {  	[smem:s4], [sflag:s15] =	dma.local [hbm:s2], $0x1  }
0x93: {  	_ =	swait.eq [sflag:s15], $0x1  }
0x94: {  	[sflag:s15] =	ssyncset.done $0x0  }
0x95: {  	[sflag:s15] =	ssyncadd.s32 $0xFFFFFFFF  }
0x96: {  	s16 =	sld [smem:$0x10];
	(tm) =	ssettm $0x1  }
0x97: {  	s17 =	sld [smem:$0x3FFB];
	_ =	sdelay $0x3  }
0x98: {  	_ =	strace s17  }
0x99: {  	s3 =	sld [smem:$0x3FFC];
	_ =	sdelay $0x3  }
0x9a: {  	_ =	strace s3  }
0x9b: {  	s3 =	sld [smem:$0x3FFD];
	_ =	sdelay $0x3  }
0x9c: {  	_ =	strace s3  }
0x9d: {  	_ =	strace $0x8FFFFFFF  }
0x9e: {  	s18 =	sld [smem:$0x3FDB];
	_ =	sdelay $0x1  }
0x9f: {  	s19 =	simm.s32 $_scs_section_size  }
0xa0: {  	s5 =	simm.s32 $_size__tile_overlayer_lowered;
	s6 =	simm.s32 $_tile_overlayer_lowered  }
0xa1: {  	s22 =	simm.s32 $0x1BFF;
	s21 =	sshll.u32 s6, $0x1;
	s3 =	sadd.s32 s19, s18  }
0xa2: {  	s7 =	simm.s32 $0x0;
	s20 =	sshll.u32 s5, $0x1;
	s5 =	sadd.s32 s21, s3  }
0xa3: {  	[timem:s7], [sflag:s22] =	dma.local [hbm:s5], s20  }
0xa4: {  	_ =	swait.ge [sflag:s22], s20  }
0xa5: {  	s4 =	ssub.s32 $0x0, s20;
	[sflag:s22] =	ssyncset.done $0x0  }
0xa6: {  	[sflag:s22] =	ssyncadd.s32 s4;
	_ =	sdelay $0x1  }
0xa7: {  	s23 =	simm.s32 $0x1B8B  }
0xa8: {  	_ =	swait.ge [sflag:s23], $0x1  }
0xa9: {  	[sflag:s23] =	ssyncset.done $0x0  }
0xaa: {  	s25 =	simm.s32 $0x1B8E;
	s24 =	sld [smem:$0x3FFE];
	[sflag:s23] =	ssyncadd.s32 $0xFFFFFFFF  }
0xab: {  	s26 =	simm.s32 $execute0_lowered;
	[smem:$0x3FD2] =	sst s25  }
0xac: {  	s5 =	sshll.u32 s26, $0x1;
	_ =	strace $0x80000046;
	[dreg:$0x1] =	wrdreg $0xFFFFFFFF  }
0xad: {  	s28 =	simm.s32 $_size_execute0_lowered;
	s3 =	sadd.s32 s3, s5;
	[dreg:$0x0] =	wrdreg $0x0  }
0xae: {  	s5 =	sshll.u32 s28, $0x1;
	[dreg:$0x2] =	wrdreg s3  }
0xaf: {  	[dreg:$0x3] =	wrdreg s5  }
0xb0: {  	[dreg:$0x4] =	wrdreg $0xC0  }
0xb1: {  	_ =	task [dreg:s7], $0x5FFFF  }
0xb2: {  	[dreg:$0x1] =	wrdreg $0xFFFFFFFF  }
0xb3: {  	[dreg:$0x0] =	wrdreg $0x60  }
0xb4: {  	[dreg:$0x2] =	wrdreg s24  }
0xb5: {  	[dreg:$0x3] =	wrdreg s16  }
0xb6: {  	[dreg:$0x4] =	wrdreg $0x9  }
0xb7: {  	_ =	task.clear_ibuf [dreg:s7], $0x5FFFF;
	_ =	strace $0x90000046  }
0xb8: {  	s29 =	simm.s32 $0x9;
	_ =	strace $0x80000048  }
0xb9: {  	_ =	swait.ge [sflag:s29], $0x1  }
0xba: {  	[sflag:s29] =	ssyncadd.s32 $0xFFFFFFFF  }
0xbb: {  	_ =	strace $0x90000048  }
0xbc: {  	_ =	sfence  }
0xbd: {  	s30 =	sld [smem:$0x0];
	_ =	sdelay $0x2  }
0xbe: {  	s31 =	sshll.u32 s1, $0xD;
	s1 =	sshrl.u32 s1, $0x2  }
0xbf: {  	s3 =	sand.u32 $0x4000, s31;
	s1 =	sadd.s32 s1, s30  }
0xc0: {  	s0 =	sor.u32 s3, s0;
	s1 =	sshll.u32 s1, $0x11  }
0xc1: {  	s0 =	sor.u32 s1, s0  }
0xc2: {  	s0 =	sadd.s32 $0x8F2B, s0  }
0xc3: {  	[sflag:s0] =	ssyncadd.remote.s32 $0x1  }
0xc4: {  	_ =	sfence.sel $0xFFFF  }
0xc5: {  	[dreg:$0x0] =	wrdreg $0xFFFFFFFF;
	(pc) =	sbr.abs _section_cstart, $3  }
0xc6: {  	[dreg:$0x1] =	wrdreg $0xFFFFFFFF  }
0xc7: {  	_ =	task.clear_ibuf [dreg:s7], $0x2FFFF;
	_ =	strace $0x9FFFFFFF  }
0xc8: {  	(tm) =	ssettm $0x7FFFFFFF  }
0xc9: {  	_ =	shalt  }
tec
execute0_lowered:
.L_overlay_start_1:
0x0: {  	(tag) =	ssettag $0x1  }
0x1: {  	s1 =	srdreg.scid;
	s9 =	rddreg [dreg:$0x0]  }
0x2: {  	s0 =	stileid.u32;
	s3 =	rddreg [dreg:$0x1];
	s6 =	sand.u32 $0x1, s1  }
0x3: {  	s2 =	simm.s32 $0x0;
	s4 =	sshll.u32 s0, $0x6;
	s5 =	sshll.u32 s6, $0x5  }
0x4: {  	s7 =	simm.s32 $0x80;
	[smem:$0x7FF] =	sst s2;
	s10 =	sor.u32 s5, s4  }
0x5: {  	s1 =	rddreg [dreg:$0x2];
	_ =	strace $0x80000047;
	s4 =	sshrl.u32 s10, $0x3  }
0x6: {  	s11 =	ssub.s32 $0x2, s6;
	s4 =	sadd.s32 s3, s4;
	s3 =	simm.s32 $0x2  }
0x7: {  	[tilespmem:s2], [sflag:$0x2] =	stream.linear.gather [hbm4b:s4+s2], $0x20, $0x38;
	[tilespmem:$0x1080] =	vst v63  }
0x8: {  	s8 =	simm.s32 $0x1;
	s12 =	sshrl.u32 s11, $0x1;
	_ =	swait.ge [sflag:s3], $0x20  }
0x9: {  	s6 =	simm.s32 $0x20;
	s11 =	ssub.s32 s11, s12;
	[sflag:s3] =	ssyncset.done $0x0  }
0xa: {  	s5 =	sadd.s32 $0x9C400, s9;
	s31 =	smax.u32 s11, $0x1;
	[sflag:s3] =	ssyncadd.s32 $0xFFFFFFE0  }
0xb: {  	[tilespmem:s7], [sflag:$0x1] =	stream.indirect.gather [hbm4b:s5+s6], $0x80, s2, s6, $0xb8;
	[tilespmem:$0x1080] =	vst v63  }
0xc: {  	p0 =	sne.s32 s31, $0x1;
	_ =	swait.ge [sflag:s8], $0x1000  }
.Ltmp0:
0xd: {  	s10 =	sshll.u32 s10, $0x4;
	[sflag:s8] =	ssyncset.done $0x0;
	(pc) =	sbr.rel @!p0 .LBB2_2-.Ltmp0, $4  }
0xe: {  	s9 =	sadd.s32 s9, s10;
	[sflag:s8] =	ssyncadd.s32 $0xFFFFF000  }
0xf: {  	[hbm4b:s9+s2] =	stream.linear.scatter [tilespmem:s7], [sflag:$0x2], $0x1000, $0x38;
	[tilespmem:$0x1080] =	vst v63  }
0x10: {  	_ =	swait.ge [sflag:s3], $0x1000  }
0x11: {  	s10 =	sadd.s32 $0xFFFFFFFF, s31;
	[sflag:s3] =	ssyncset.done $0x0  }
.LBB2_1:
0x12: {  	p0 =	sne.s32 s10, $0x1;
	s10 =	sadd.s32 $0xFFFFFFFF, s10;
	[sflag:s3] =	ssyncadd.s32 $0xFFFFF000  }
0x13: {  	[tilespmem:s2], [sflag:$0x2] =	stream.linear.gather [hbm4b:s4+s2], $0x20, $0x38;
	[tilespmem:$0x1080] =	vst v63  }
0x14: {  	_ =	swait.ge [sflag:s3], $0x20  }
0x15: {  	[sflag:s3] =	ssyncset.done $0x0  }
0x16: {  	[sflag:s3] =	ssyncadd.s32 $0xFFFFFFE0  }
0x17: {  	[tilespmem:s7], [sflag:$0x1] =	stream.indirect.gather [hbm4b:s5+s6], $0x80, s2, s6, $0xb8;
	[tilespmem:$0x1080] =	vst v63  }
0x18: {  	_ =	swait.ge [sflag:s8], $0x1000  }
.Ltmp1:
0x19: {  	[sflag:s8] =	ssyncset.done $0x0;
	(pc) =	sbr.rel @p0 .LBB2_1-.Ltmp1, $4  }
0x1a: {  	[sflag:s8] =	ssyncadd.s32 $0xFFFFF000  }
0x1b: {  	[hbm4b:s9+s2] =	stream.linear.scatter [tilespmem:s7], [sflag:$0x2], $0x1000, $0x38;
	[tilespmem:$0x1080] =	vst v63  }
0x1c: {  	_ =	swait.ge [sflag:s3], $0x1000  }
0x1d: {  	[sflag:s3] =	ssyncset.done $0x0  }
.LBB2_2:
0x1e: {  	[sflag:s3] =	ssyncadd.s32 $0xFFFFF000  }
0x1f: {  	_ =	sfence.sel $0x180000  }
0x20: {  	[bflag:$0x0] =	sbarrier.arrive $0xFFFF  }
0x21: {  	p0 =	sne.s32 s0, $0x0;
	_ =	strace $0x90000047  }
0x22: {  	s0 =	sadd.s32 @!p0 $0x100000, s1;
	[bflag:$0x2] =	sbarrier.arrive $0xFFFF  }
0x23: {  	[sflag:s0] =	ssyncadd.tile.s32 @!p0 $0x1;
	_ =	shalt  }
.Lfunc_end2:
_tile_overlayer_lowered:
.L_overlay_start_2:
0x24: {  	(tag) =	ssettag $0x2  }
0x25: {  	s0 =	rddreg [dreg:$0x0];
	s2 =	stileid.u32  }
0x26: {  	s1 =	rddreg [dreg:$0x1];
	p0 =	sne.s32 s2, $0x0  }
0x27: {  	s3 =	rddreg [dreg:$0x2];
	[bflag:$0x3] =	sbarrier.arrive $0xFFFF;
	s2 =	simm.s32 @!p0 $0x1C02  }
0x28: {  	[timem:s3], [sflag:s2] =	dma.local @!p0 [hbm:s0], s1  }
0x29: {  	s0 =	simm.s32 @!p0 $0x2  }
0x2a: {  	_ =	swait.ge @!p0 [sflag:s0], s1  }
0x2b: {  	s1 =	ssub.s32 @!p0 $0x0, s1;
	[sflag:s0] =	ssyncset.done @!p0 $0x0  }
0x2c: {  	[sflag:s0] =	ssyncadd.s32 @!p0 s1  }
0x2d: {  	[bflag:$0x3] =	sbarrier.arrive $0xFFFF  }
0x2e: {  	_ =	shalt  }

</sc_bundles>
